<compile_context>
chip_gen: v7x
topology: tpu7x:2x2x1
jax: 0.10.2.dev20260603
libtpu: 0.0.44.dev20260713+nightly
codegen_flags: <defaults>
</compile_context>

<pallas_src>
import functools

import jax
import jax.numpy as jnp
from jax import lax
from jax.experimental import pallas as pl
from jax.experimental.pallas import tpu as pltpu
from jax.experimental.pallas import tpu_sc as plsc

SEQ_LEN = 200
BATCH = 4096
EMB = 50
VOCAB = 1000000
PAD_N = 16
COL_BLOCK = 16384
IDX_CHUNK = 100
N_CHUNK = SEQ_LEN // IDX_CHUNK


def _proj_body(tt_ref, w_ref, p_ref):
    w = w_ref[...] * (1.0 / SEQ_LEN)
    p_ref[...] = lax.dot_general(
        tt_ref[...], w, (((0,), (0,)), ((), ())),
        preferred_element_type=jnp.float32,
    )


def _project_table(table_t, w_pad):
    grid = pl.cdiv(VOCAB, COL_BLOCK)
    return pl.pallas_call(
        _proj_body,
        grid=(grid,),
        in_specs=[
            pl.BlockSpec((EMB, COL_BLOCK), lambda i: (0, i)),
            pl.BlockSpec((EMB, PAD_N), lambda i: (0, 0)),
        ],
        out_specs=pl.BlockSpec((COL_BLOCK, PAD_N), lambda i: (i, 0)),
        out_shape=jax.ShapeDtypeStruct((VOCAB, PAD_N), jnp.float32),
    )(table_t, w_pad)


def _sc_lookup(xt, p, b_pad):
    info = plsc.get_sparse_core_info()
    nc, ns = info.num_cores, info.num_subcores
    nw = nc * ns
    b_per_w = BATCH // nw
    mesh = plsc.VectorSubcoreMesh(core_axis_name="c", subcore_axis_name="s")

    @functools.partial(
        pl.kernel,
        mesh=mesh,
        compiler_params=pltpu.CompilerParams(use_tc_tiling_on_sc=False),
        out_type=jax.ShapeDtypeStruct((BATCH, PAD_N), jnp.float32),
        scratch_types=[
            pltpu.VMEM((b_per_w, N_CHUNK, IDX_CHUNK), jnp.int32),
            pltpu.VMEM((2, SEQ_LEN, PAD_N), jnp.float32),
            pltpu.VMEM((b_per_w, PAD_N), jnp.float32),
            pltpu.VMEM((PAD_N,), jnp.float32),
            pltpu.SemaphoreType.DMA,
            pltpu.SemaphoreType.DMA,
        ],
    )
    def k(xt_hbm, p_hbm, b_hbm, out_hbm, idx_v, rows_v, out_v, b_v, sem0, sem1):
        wid = lax.axis_index("s") * nc + lax.axis_index("c")
        base = wid * b_per_w
        pltpu.sync_copy(xt_hbm.at[pl.ds(base, b_per_w)], idx_v)
        pltpu.sync_copy(b_hbm, b_v)
        bias = b_v[...]
        sems = (sem0, sem1)

        def gather(bi, slot, start):
            for j in range(N_CHUNK):
                cp = pltpu.make_async_copy(
                    p_hbm.at[idx_v.at[bi, j]],
                    rows_v.at[slot, pl.ds(j * IDX_CHUNK, IDX_CHUNK)],
                    sems[slot],
                )
                if start:
                    cp.start()
                else:
                    cp.wait()

        def accum(bi, slot):
            def body_s(si, acc):
                return acc + rows_v[slot, si, :]

            acc = lax.fori_loop(0, SEQ_LEN, body_s, bias, unroll=8)
            out_v[bi, :] = acc

        gather(0, 0, True)

        def body_b(i, carry):
            i0 = i * 2
            gather(i0 + 1, 1, True)
            gather(i0, 0, False)
            accum(i0, 0)

            @pl.when(i0 + 2 < b_per_w)
            def _():
                gather(i0 + 2, 0, True)

            gather(i0 + 1, 1, False)
            accum(i0 + 1, 1)
            return carry

        lax.fori_loop(0, b_per_w // 2, body_b, 0)
        pltpu.sync_copy(out_v, out_hbm.at[pl.ds(base, b_per_w)])

    return k(xt, p, b_pad)


def kernel(X, table, W, b):
    w_pad = jnp.zeros((EMB, PAD_N), jnp.float32).at[:, : W.shape[1]].set(W)
    b_pad = jnp.zeros((PAD_N,), jnp.float32).at[: b.shape[0]].set(b)
    p = _project_table(jnp.transpose(table), w_pad)
    xt = jnp.transpose(X.astype(jnp.int32)).reshape(BATCH, N_CHUNK, IDX_CHUNK)
    out = _sc_lookup(xt, p, b_pad)
    return out[:, : W.shape[1]]

# --- scband reference (transcript-rebuilt; emitter-appended) ---
"""Pipeline reference for scband-attention-base-35682588295711 (READ-ONLY COPY).

The authoritative reference and input builder live on the scoring server;
editing this copy changes nothing except your own understanding.
"""

import jax, jax.numpy as jnp
import numpy as np

VOCAB = 1000000
EMBEDDING_SIZE = 50
NUM_CLASSES = 2
SEQ_LEN = 200
BATCH = 4096

def setup_inputs(seed: int = 0) -> dict:
    key = jax.random.key(seed)
    k1, k2, k3, k4 = jax.random.split(key, 4)
    X = jax.random.randint(k1, (SEQ_LEN, BATCH), 0, VOCAB, dtype=jnp.int64)
    table = jax.random.normal(k2, (VOCAB, EMBEDDING_SIZE), dtype=jnp.float32)
    bound = 1.0 / np.sqrt(EMBEDDING_SIZE)
    W = jax.random.uniform(k3, (EMBEDDING_SIZE, NUM_CLASSES), dtype=jnp.float32, minval=-bound, maxval=bound)
    b = jax.random.uniform(k4, (NUM_CLASSES,), dtype=jnp.float32, minval=-bound, maxval=bound)
    return {"X": X, "table": table, "W": W, "b": b}

def reference(X, table, W, b):
    # nn.Embedding lookup (frozen pretrained table)
    emb = jnp.take(table, X, axis=0)          # [SEQ_LEN, BATCH, EMBEDDING_SIZE]
    pooled = jnp.mean(emb, axis=0)            # [BATCH, EMBEDDING_SIZE] (torch.mean(output, dim=0))
    out = pooled @ W + b                      # nn.Linear(EMBEDDING_SIZE, 2)
    return out

if __name__ == "__main__":
    import jax
    _d = setup_inputs()
    print(jax.jit(kernel)(*tuple(_d.values())))

</pallas_src>

<mosaic_0001>
#map = affine_map<(d0, d1) -> (0, 0, 0)>
#map1 = affine_map<(d0, d1) -> (0, 0)>
#map2 = affine_map<(d0, d1) -> (0)>
module attributes {stable_mosaic.version = 14 : i64} {
  func.func @k(%arg0: i32, %arg1: i32, %arg2: memref<4096x2x100xi32, #tpu.memory_space<hbm>>, %arg3: memref<1000000x16xf32, #tpu.memory_space<hbm>>, %arg4: memref<16xf32, #tpu.memory_space<hbm>>, %arg5: memref<4096x16xf32, #tpu.memory_space<hbm>>, %arg6: memref<128x2x100xi32, #tpu.memory_space<vmem>>, %arg7: memref<2x200x16xf32, #tpu.memory_space<vmem>>, %arg8: memref<128x16xf32, #tpu.memory_space<vmem>>, %arg9: memref<16xf32, #tpu.memory_space<vmem>>, %arg10: memref<!tpu.dma_semaphore, #tpu.memory_space<semaphore_mem>>, %arg11: memref<!tpu.dma_semaphore, #tpu.memory_space<semaphore_mem>>) attributes {dimension_semantics = [#tpu.dimension_semantics<core_parallel>, #tpu.dimension_semantics<subcore_parallel>], iteration_bounds = array<i64: 2, 16>, scalar_prefetch = 0 : i64, scratch_operands = 6 : i64, tpu.core_type = #tpu.core_type<sc_vector_subcore>, window_params = [{transform_indices = #map}, {transform_indices = #map1}, {transform_indices = #map2}, {transform_indices = #map1}]} {
    %mul3A = arith.constant 2 : i32
    %mul3A_0 = arith.muli %arg1, %mul3A : i32
    %add3A = arith.addi %mul3A_0, %arg0 : i32
    %mul3A_1 = arith.constant 128 : i32
    %mul3A_2 = arith.muli %add3A, %mul3A_1 : i32
    "tpu.region"() ({
      %run_scoped3A = tpu.sem_alloc : memref<!tpu.dma_semaphore, #tpu.memory_space<semaphore_mem>>
      %dma_start3A_35 = arith.constant 0 : i32
      %dma_start3A_36 = arith.constant 0 : i32
      %dma_start3A_37 = tpu.memref_slice %arg2[%mul3A_2, %dma_start3A_35, %dma_start3A_36] : memref<4096x2x100xi32, #tpu.memory_space<hbm>> -> memref<128x2x100xi32, #tpu.memory_space<hbm>>
      %dma_start3A_38 = arith.constant 0 : i32
      %dma_start3A_39 = arith.constant 0 : i32
      %dma_start3A_40 = tpu.memref_slice %arg2[%mul3A_2, %dma_start3A_38, %dma_start3A_39] : memref<4096x2x100xi32, #tpu.memory_space<hbm>> -> memref<128x2x100xi32, #tpu.memory_space<hbm>>
      tpu.enqueue_dma source(%dma_start3A_40 : memref<128x2x100xi32, #tpu.memory_space<hbm>>) target(%arg6 : memref<128x2x100xi32, #tpu.memory_space<vmem>>) target_semaphore(%run_scoped3A : memref<!tpu.dma_semaphore, #tpu.memory_space<semaphore_mem>>)
      %dma_wait3A = arith.constant 0 : i32
      %dma_wait3A_41 = arith.constant 0 : i32
      %dma_wait3A_42 = tpu.memref_slice %arg2[%mul3A_2, %dma_wait3A, %dma_wait3A_41] : memref<4096x2x100xi32, #tpu.memory_space<hbm>> -> memref<128x2x100xi32, #tpu.memory_space<hbm>>
      %dma_wait3A_43 = arith.constant 0 : i32
      %dma_wait3A_44 = arith.constant 0 : i32
      %dma_wait3A_45 = tpu.memref_slice %arg2[%mul3A_2, %dma_wait3A_43, %dma_wait3A_44] : memref<4096x2x100xi32, #tpu.memory_space<hbm>> -> memref<128x2x100xi32, #tpu.memory_space<hbm>>
      tpu.wait_dma2 semaphore(%run_scoped3A : memref<!tpu.dma_semaphore, #tpu.memory_space<semaphore_mem>>) src(%dma_wait3A_45 : memref<128x2x100xi32, #tpu.memory_space<hbm>>) dst(%arg6 : memref<128x2x100xi32, #tpu.memory_space<vmem>>)
      tpu.yield
    }) : () -> ()
    "tpu.region"() ({
      %run_scoped3A = tpu.sem_alloc : memref<!tpu.dma_semaphore, #tpu.memory_space<semaphore_mem>>
      tpu.enqueue_dma source(%arg4 : memref<16xf32, #tpu.memory_space<hbm>>) target(%arg9 : memref<16xf32, #tpu.memory_space<vmem>>) target_semaphore(%run_scoped3A : memref<!tpu.dma_semaphore, #tpu.memory_space<semaphore_mem>>)
      tpu.wait_dma2 semaphore(%run_scoped3A : memref<!tpu.dma_semaphore, #tpu.memory_space<semaphore_mem>>) src(%arg4 : memref<16xf32, #tpu.memory_space<hbm>>) dst(%arg9 : memref<16xf32, #tpu.memory_space<vmem>>)
      tpu.yield
    }) : () -> ()
    %get3A = arith.constant 0 : index
    %get3A_3 = tpu.vector_load %arg9[%get3A] {strides = array<i32>} : memref<16xf32, #tpu.memory_space<vmem>>, vector<16xf32>,
    %get3A_4 = vector.shape_cast %get3A_3 : vector<16xf32> to vector<16xf32>
    %dma_start3A = arith.constant 0 : i32
    %dma_start3A_5 = arith.constant 0 : i32
    %dma_start3A_6 = arith.constant 0 : i32
    %dma_start3A_7 = arith.constant 0 : i32
    %dma_start3A_8 = arith.constant 0 : i32
    %dma_start3A_9 = tpu.memref_slice %arg7[%dma_start3A_6, %dma_start3A_7, %dma_start3A_8] : memref<2x200x16xf32, #tpu.memory_space<vmem>> -> memref<1x100x16xf32, #tpu.memory_space<vmem>>
    %dma_start3A_10 = tpu.memref_squeeze %dma_start3A_9 : memref<1x100x16xf32, #tpu.memory_space<vmem>> -> memref<100x16xf32, #tpu.memory_space<vmem>>
    %dma_start3A_11 = arith.constant 0 : i32
    %dma_start3A_12 = tpu.memref_slice %arg6[%dma_start3A, %dma_start3A_5, %dma_start3A_11] : memref<128x2x100xi32, #tpu.memory_space<vmem>> -> memref<1x1x100xi32, #tpu.memory_space<vmem>>
    %dma_start3A_13 = tpu.memref_squeeze %dma_start3A_12 : memref<1x1x100xi32, #tpu.memory_space<vmem>> -> memref<100xi32, #tpu.memory_space<vmem>>
    %dma_start3A_14 = arith.constant 0 : i32
    %dma_start3A_15 = arith.constant 0 : i32
    %dma_start3A_16 = tpu.memref_slice %arg3[%dma_start3A_14, %dma_start3A_15] : memref<1000000x16xf32, #tpu.memory_space<hbm>> -> memref<1000000x16xf32, #tpu.memory_space<hbm>>
    tpu.enqueue_indirect_dma source(%dma_start3A_16 : memref<1000000x16xf32, #tpu.memory_space<hbm>>) target(%dma_start3A_10 : memref<100x16xf32, #tpu.memory_space<vmem>>) offsets(%dma_start3A_13 : memref<100xi32, #tpu.memory_space<vmem>>) semaphore(%arg10 : memref<!tpu.dma_semaphore, #tpu.memory_space<semaphore_mem>>)
    %dma_start3A_17 = arith.constant 0 : i32
    %dma_start3A_18 = arith.constant 1 : i32
    %dma_start3A_19 = arith.constant 0 : i32
    %dma_start3A_20 = arith.constant 100 : i32
    %dma_start3A_21 = arith.constant 0 : i32
    %dma_start3A_22 = tpu.memref_slice %arg7[%dma_start3A_19, %dma_start3A_20, %dma_start3A_21] : memref<2x200x16xf32, #tpu.memory_space<vmem>> -> memref<1x100x16xf32, #tpu.memory_space<vmem>>
    %dma_start3A_23 = tpu.memref_squeeze %dma_start3A_22 : memref<1x100x16xf32, #tpu.memory_space<vmem>> -> memref<100x16xf32, #tpu.memory_space<vmem>>
    %dma_start3A_24 = arith.constant 0 : i32
    %dma_start3A_25 = tpu.memref_slice %arg6[%dma_start3A_17, %dma_start3A_18, %dma_start3A_24] : memref<128x2x100xi32, #tpu.memory_space<vmem>> -> memref<1x1x100xi32, #tpu.memory_space<vmem>>
    %dma_start3A_26 = tpu.memref_squeeze %dma_start3A_25 : memref<1x1x100xi32, #tpu.memory_space<vmem>> -> memref<100xi32, #tpu.memory_space<vmem>>
    %dma_start3A_27 = arith.constant 0 : i32
    %dma_start3A_28 = arith.constant 0 : i32
    %dma_start3A_29 = tpu.memref_slice %arg3[%dma_start3A_27, %dma_start3A_28] : memref<1000000x16xf32, #tpu.memory_space<hbm>> -> memref<1000000x16xf32, #tpu.memory_space<hbm>>
    tpu.enqueue_indirect_dma source(%dma_start3A_29 : memref<1000000x16xf32, #tpu.memory_space<hbm>>) target(%dma_start3A_23 : memref<100x16xf32, #tpu.memory_space<vmem>>) offsets(%dma_start3A_26 : memref<100xi32, #tpu.memory_space<vmem>>) semaphore(%arg10 : memref<!tpu.dma_semaphore, #tpu.memory_space<semaphore_mem>>)
    %scan3A = arith.constant 0 : i32
    %scan3A_30 = arith.constant 0 : i32
    %scan3A_31 = arith.constant 64 : i32
    %scan3A_32 = arith.addi %scan3A_30, %scan3A_31 : i32
    %scan3A_33 = arith.constant 1 : i32
    scf.for %scan3A_35 = %scan3A_30 to %scan3A_32 step %scan3A_33  : i32 {
      %mul3A_36 = arith.constant 2 : i32
      %mul3A_37 = arith.muli %scan3A_35, %mul3A_36 : i32
      %add3A_38 = arith.constant 1 : i32
      %add3A_39 = arith.addi %mul3A_37, %add3A_38 : i32
      %dma_start3A_40 = arith.constant 0 : i32
      %dma_start3A_41 = arith.constant 1 : i32
      %dma_start3A_42 = arith.constant 0 : i32
      %dma_start3A_43 = arith.constant 0 : i32
      %dma_start3A_44 = tpu.memref_slice %arg7[%dma_start3A_41, %dma_start3A_42, %dma_start3A_43] : memref<2x200x16xf32, #tpu.memory_space<vmem>> -> memref<1x100x16xf32, #tpu.memory_space<vmem>>
      %dma_start3A_45 = tpu.memref_squeeze %dma_start3A_44 : memref<1x100x16xf32, #tpu.memory_space<vmem>> -> memref<100x16xf32, #tpu.memory_space<vmem>>
      %dma_start3A_46 = arith.constant 0 : i32
      %dma_start3A_47 = tpu.memref_slice %arg6[%add3A_39, %dma_start3A_40, %dma_start3A_46] : memref<128x2x100xi32, #tpu.memory_space<vmem>> -> memref<1x1x100xi32, #tpu.memory_space<vmem>>
      %dma_start3A_48 = tpu.memref_squeeze %dma_start3A_47 : memref<1x1x100xi32, #tpu.memory_space<vmem>> -> memref<100xi32, #tpu.memory_space<vmem>>
      %dma_start3A_49 = arith.constant 0 : i32
      %dma_start3A_50 = arith.constant 0 : i32
      %dma_start3A_51 = tpu.memref_slice %arg3[%dma_start3A_49, %dma_start3A_50] : memref<1000000x16xf32, #tpu.memory_space<hbm>> -> memref<1000000x16xf32, #tpu.memory_space<hbm>>
      tpu.enqueue_indirect_dma source(%dma_start3A_51 : memref<1000000x16xf32, #tpu.memory_space<hbm>>) target(%dma_start3A_45 : memref<100x16xf32, #tpu.memory_space<vmem>>) offsets(%dma_start3A_48 : memref<100xi32, #tpu.memory_space<vmem>>) semaphore(%arg11 : memref<!tpu.dma_semaphore, #tpu.memory_space<semaphore_mem>>)
      %dma_start3A_52 = arith.constant 1 : i32
      %dma_start3A_53 = arith.constant 1 : i32
      %dma_start3A_54 = arith.constant 100 : i32
      %dma_start3A_55 = arith.constant 0 : i32
      %dma_start3A_56 = tpu.memref_slice %arg7[%dma_start3A_53, %dma_start3A_54, %dma_start3A_55] : memref<2x200x16xf32, #tpu.memory_space<vmem>> -> memref<1x100x16xf32, #tpu.memory_space<vmem>>
      %dma_start3A_57 = tpu.memref_squeeze %dma_start3A_56 : memref<1x100x16xf32, #tpu.memory_space<vmem>> -> memref<100x16xf32, #tpu.memory_space<vmem>>
      %dma_start3A_58 = arith.constant 0 : i32
      %dma_start3A_59 = tpu.memref_slice %arg6[%add3A_39, %dma_start3A_52, %dma_start3A_58] : memref<128x2x100xi32, #tpu.memory_space<vmem>> -> memref<1x1x100xi32, #tpu.memory_space<vmem>>
      %dma_start3A_60 = tpu.memref_squeeze %dma_start3A_59 : memref<1x1x100xi32, #tpu.memory_space<vmem>> -> memref<100xi32, #tpu.memory_space<vmem>>
      %dma_start3A_61 = arith.constant 0 : i32
      %dma_start3A_62 = arith.constant 0 : i32
      %dma_start3A_63 = tpu.memref_slice %arg3[%dma_start3A_61, %dma_start3A_62] : memref<1000000x16xf32, #tpu.memory_space<hbm>> -> memref<1000000x16xf32, #tpu.memory_space<hbm>>
      tpu.enqueue_indirect_dma source(%dma_start3A_63 : memref<1000000x16xf32, #tpu.memory_space<hbm>>) target(%dma_start3A_57 : memref<100x16xf32, #tpu.memory_space<vmem>>) offsets(%dma_start3A_60 : memref<100xi32, #tpu.memory_space<vmem>>) semaphore(%arg11 : memref<!tpu.dma_semaphore, #tpu.memory_space<semaphore_mem>>)
      %dma_wait3A = arith.constant 0 : i32
      %dma_wait3A_64 = arith.constant 0 : i32
      %dma_wait3A_65 = arith.constant 0 : i32
      %dma_wait3A_66 = arith.constant 0 : i32
      %dma_wait3A_67 = tpu.memref_slice %arg7[%dma_wait3A_64, %dma_wait3A_65, %dma_wait3A_66] : memref<2x200x16xf32, #tpu.memory_space<vmem>> -> memref<1x100x16xf32, #tpu.memory_space<vmem>>
      %dma_wait3A_68 = tpu.memref_squeeze %dma_wait3A_67 : memref<1x100x16xf32, #tpu.memory_space<vmem>> -> memref<100x16xf32, #tpu.memory_space<vmem>>
      %dma_wait3A_69 = arith.constant 0 : i32
      %dma_wait3A_70 = tpu.memref_slice %arg6[%mul3A_37, %dma_wait3A, %dma_wait3A_69] : memref<128x2x100xi32, #tpu.memory_space<vmem>> -> memref<1x1x100xi32, #tpu.memory_space<vmem>>
      %dma_wait3A_71 = tpu.memref_squeeze %dma_wait3A_70 : memref<1x1x100xi32, #tpu.memory_space<vmem>> -> memref<100xi32, #tpu.memory_space<vmem>>
      %dma_wait3A_72 = arith.constant 0 : i32
      %dma_wait3A_73 = arith.constant 0 : i32
      %dma_wait3A_74 = tpu.memref_slice %arg3[%dma_wait3A_72, %dma_wait3A_73] : memref<1000000x16xf32, #tpu.memory_space<hbm>> -> memref<1000000x16xf32, #tpu.memory_space<hbm>>
      tpu.wait_indirect_dma semaphore(%arg10 : memref<!tpu.dma_semaphore, #tpu.memory_space<semaphore_mem>>) src(%dma_wait3A_74 : memref<1000000x16xf32, #tpu.memory_space<hbm>>) dst(%dma_wait3A_68 : memref<100x16xf32, #tpu.memory_space<vmem>>)
      %dma_wait3A_75 = arith.constant 1 : i32
      %dma_wait3A_76 = arith.constant 0 : i32
      %dma_wait3A_77 = arith.constant 100 : i32
      %dma_wait3A_78 = arith.constant 0 : i32
      %dma_wait3A_79 = tpu.memref_slice %arg7[%dma_wait3A_76, %dma_wait3A_77, %dma_wait3A_78] : memref<2x200x16xf32, #tpu.memory_space<vmem>> -> memref<1x100x16xf32, #tpu.memory_space<vmem>>
      %dma_wait3A_80 = tpu.memref_squeeze %dma_wait3A_79 : memref<1x100x16xf32, #tpu.memory_space<vmem>> -> memref<100x16xf32, #tpu.memory_space<vmem>>
      %dma_wait3A_81 = arith.constant 0 : i32
      %dma_wait3A_82 = tpu.memref_slice %arg6[%mul3A_37, %dma_wait3A_75, %dma_wait3A_81] : memref<128x2x100xi32, #tpu.memory_space<vmem>> -> memref<1x1x100xi32, #tpu.memory_space<vmem>>
      %dma_wait3A_83 = tpu.memref_squeeze %dma_wait3A_82 : memref<1x1x100xi32, #tpu.memory_space<vmem>> -> memref<100xi32, #tpu.memory_space<vmem>>
      %dma_wait3A_84 = arith.constant 0 : i32
      %dma_wait3A_85 = arith.constant 0 : i32
      %dma_wait3A_86 = tpu.memref_slice %arg3[%dma_wait3A_84, %dma_wait3A_85] : memref<1000000x16xf32, #tpu.memory_space<hbm>> -> memref<1000000x16xf32, #tpu.memory_space<hbm>>
      tpu.wait_indirect_dma semaphore(%arg10 : memref<!tpu.dma_semaphore, #tpu.memory_space<semaphore_mem>>) src(%dma_wait3A_86 : memref<1000000x16xf32, #tpu.memory_space<hbm>>) dst(%dma_wait3A_80 : memref<100x16xf32, #tpu.memory_space<vmem>>)
      %scan3A_87 = arith.constant 0 : i32
      %scan3A_88 = arith.constant 200 : i32
      %scan3A_89 = arith.addi %scan3A_87, %scan3A_88 : i32
      %scan3A_90 = arith.constant 8 : i32
      %scan3A_91 = scf.for %scan3A_140 = %scan3A_87 to %scan3A_89 step %scan3A_90 iter_args(%scan3A_141 = %get3A_4) -> (vector<16xf32>)  : i32 {
        %get3A_142 = arith.constant 0 : i32
        %get3A_143 = arith.index_cast %get3A_142 : i32 to index
        %get3A_144 = arith.index_cast %scan3A_140 : i32 to index
        %get3A_145 = arith.constant 0 : index
        %get3A_146 = tpu.vector_load %arg7[%get3A_143, %get3A_144, %get3A_145] {strides = array<i32>} : memref<2x200x16xf32, #tpu.memory_space<vmem>>, vector<1x1x16xf32>,
        %get3A_147 = vector.shape_cast %get3A_146 : vector<1x1x16xf32> to vector<16xf32>
        %add3A_148 = arith.addf %scan3A_141, %get3A_147 : vector<16xf32>
        %scan3A_149 = arith.constant 1 : i32
        %scan3A_150 = arith.addi %scan3A_140, %scan3A_149 : i32
        %get3A_151 = arith.constant 0 : i32
        %get3A_152 = arith.index_cast %get3A_151 : i32 to index
        %get3A_153 = arith.index_cast %scan3A_150 : i32 to index
        %get3A_154 = arith.constant 0 : index
        %get3A_155 = tpu.vector_load %arg7[%get3A_152, %get3A_153, %get3A_154] {strides = array<i32>} : memref<2x200x16xf32, #tpu.memory_space<vmem>>, vector<1x1x16xf32>,
        %get3A_156 = vector.shape_cast %get3A_155 : vector<1x1x16xf32> to vector<16xf32>
        %add3A_157 = arith.addf %add3A_148, %get3A_156 : vector<16xf32>
        %scan3A_158 = arith.constant 2 : i32
        %scan3A_159 = arith.addi %scan3A_140, %scan3A_158 : i32
        %get3A_160 = arith.constant 0 : i32
        %get3A_161 = arith.index_cast %get3A_160 : i32 to index
        %get3A_162 = arith.index_cast %scan3A_159 : i32 to index
        %get3A_163 = arith.constant 0 : index
        %get3A_164 = tpu.vector_load %arg7[%get3A_161, %get3A_162, %get3A_163] {strides = array<i32>} : memref<2x200x16xf32, #tpu.memory_space<vmem>>, vector<1x1x16xf32>,
        %get3A_165 = vector.shape_cast %get3A_164 : vector<1x1x16xf32> to vector<16xf32>
        %add3A_166 = arith.addf %add3A_157, %get3A_165 : vector<16xf32>
        %scan3A_167 = arith.constant 3 : i32
        %scan3A_168 = arith.addi %scan3A_140, %scan3A_167 : i32
        %get3A_169 = arith.constant 0 : i32
        %get3A_170 = arith.index_cast %get3A_169 : i32 to index
        %get3A_171 = arith.index_cast %scan3A_168 : i32 to index
        %get3A_172 = arith.constant 0 : index
        %get3A_173 = tpu.vector_load %arg7[%get3A_170, %get3A_171, %get3A_172] {strides = array<i32>} : memref<2x200x16xf32, #tpu.memory_space<vmem>>, vector<1x1x16xf32>,
        %get3A_174 = vector.shape_cast %get3A_173 : vector<1x1x16xf32> to vector<16xf32>
        %add3A_175 = arith.addf %add3A_166, %get3A_174 : vector<16xf32>
        %scan3A_176 = arith.constant 4 : i32
        %scan3A_177 = arith.addi %scan3A_140, %scan3A_176 : i32
        %get3A_178 = arith.constant 0 : i32
        %get3A_179 = arith.index_cast %get3A_178 : i32 to index
        %get3A_180 = arith.index_cast %scan3A_177 : i32 to index
        %get3A_181 = arith.constant 0 : index
        %get3A_182 = tpu.vector_load %arg7[%get3A_179, %get3A_180, %get3A_181] {strides = array<i32>} : memref<2x200x16xf32, #tpu.memory_space<vmem>>, vector<1x1x16xf32>,
        %get3A_183 = vector.shape_cast %get3A_182 : vector<1x1x16xf32> to vector<16xf32>
        %add3A_184 = arith.addf %add3A_175, %get3A_183 : vector<16xf32>
        %scan3A_185 = arith.constant 5 : i32
        %scan3A_186 = arith.addi %scan3A_140, %scan3A_185 : i32
        %get3A_187 = arith.constant 0 : i32
        %get3A_188 = arith.index_cast %get3A_187 : i32 to index
        %get3A_189 = arith.index_cast %scan3A_186 : i32 to index
        %get3A_190 = arith.constant 0 : index
        %get3A_191 = tpu.vector_load %arg7[%get3A_188, %get3A_189, %get3A_190] {strides = array<i32>} : memref<2x200x16xf32, #tpu.memory_space<vmem>>, vector<1x1x16xf32>,
        %get3A_192 = vector.shape_cast %get3A_191 : vector<1x1x16xf32> to vector<16xf32>
        %add3A_193 = arith.addf %add3A_184, %get3A_192 : vector<16xf32>
        %scan3A_194 = arith.constant 6 : i32
        %scan3A_195 = arith.addi %scan3A_140, %scan3A_194 : i32
        %get3A_196 = arith.constant 0 : i32
        %get3A_197 = arith.index_cast %get3A_196 : i32 to index
        %get3A_198 = arith.index_cast %scan3A_195 : i32 to index
        %get3A_199 = arith.constant 0 : index
        %get3A_200 = tpu.vector_load %arg7[%get3A_197, %get3A_198, %get3A_199] {strides = array<i32>} : memref<2x200x16xf32, #tpu.memory_space<vmem>>, vector<1x1x16xf32>,
        %get3A_201 = vector.shape_cast %get3A_200 : vector<1x1x16xf32> to vector<16xf32>
        %add3A_202 = arith.addf %add3A_193, %get3A_201 : vector<16xf32>
        %scan3A_203 = arith.constant 7 : i32
        %scan3A_204 = arith.addi %scan3A_140, %scan3A_203 : i32
        %get3A_205 = arith.constant 0 : i32
        %get3A_206 = arith.index_cast %get3A_205 : i32 to index
        %get3A_207 = arith.index_cast %scan3A_204 : i32 to index
        %get3A_208 = arith.constant 0 : index
        %get3A_209 = tpu.vector_load %arg7[%get3A_206, %get3A_207, %get3A_208] {strides = array<i32>} : memref<2x200x16xf32, #tpu.memory_space<vmem>>, vector<1x1x16xf32>,
        %get3A_210 = vector.shape_cast %get3A_209 : vector<1x1x16xf32> to vector<16xf32>
        %add3A_211 = arith.addf %add3A_202, %get3A_210 : vector<16xf32>
        scf.yield %add3A_211 : vector<16xf32>
      }
      %scan3A_92 = arith.constant 200 : i32
      %swap3A = arith.index_cast %mul3A_37 : i32 to index
      %swap3A_93 = arith.constant 0 : index
      %swap3A_94 = tpu.vector_load %arg8[%swap3A, %swap3A_93] {strides = array<i32>} : memref<128x16xf32, #tpu.memory_space<vmem>>, vector<1x16xf32>,
      %swap3A_95 = vector.shape_cast %swap3A_94 : vector<1x16xf32> to vector<16xf32>
      %swap3A_96 = vector.shape_cast %scan3A_91 : vector<16xf32> to vector<1x16xf32>
      tpu.vector_store %arg8[%swap3A, %swap3A_93], %swap3A_96 {strides = array<i32>} : memref<128x16xf32, #tpu.memory_space<vmem>>, vector<1x16xf32>,
      %add3A_97 = arith.constant 2 : i32
      %add3A_98 = arith.addi %mul3A_37, %add3A_97 : i32
      %lt3A = arith.constant 128 : i32
      %lt3A_99 = arith.cmpi slt, %add3A_98, %lt3A : i32
      %convert_element_type3A = arith.extui %lt3A_99 : i1 to i32
      %cond3A = arith.constant 0 : i32
      %cond3A_100 = arith.cmpi ne, %convert_element_type3A, %cond3A : i32
      scf.if %cond3A_100 {
        %add3A_140 = arith.constant 2 : i32
        %add3A_141 = arith.addi %mul3A_37, %add3A_140 : i32
        %dma_start3A_142 = arith.constant 0 : i32
        %dma_start3A_143 = arith.constant 0 : i32
        %dma_start3A_144 = arith.constant 0 : i32
        %dma_start3A_145 = arith.constant 0 : i32
        %dma_start3A_146 = tpu.memref_slice %arg7[%dma_start3A_143, %dma_start3A_144, %dma_start3A_145] : memref<2x200x16xf32, #tpu.memory_space<vmem>> -> memref<1x100x16xf32, #tpu.memory_space<vmem>>
        %dma_start3A_147 = tpu.memref_squeeze %dma_start3A_146 : memref<1x100x16xf32, #tpu.memory_space<vmem>> -> memref<100x16xf32, #tpu.memory_space<vmem>>
        %dma_start3A_148 = arith.constant 0 : i32
        %dma_start3A_149 = tpu.memref_slice %arg6[%add3A_141, %dma_start3A_142, %dma_start3A_148] : memref<128x2x100xi32, #tpu.memory_space<vmem>> -> memref<1x1x100xi32, #tpu.memory_space<vmem>>
        %dma_start3A_150 = tpu.memref_squeeze %dma_start3A_149 : memref<1x1x100xi32, #tpu.memory_space<vmem>> -> memref<100xi32, #tpu.memory_space<vmem>>
        %dma_start3A_151 = arith.constant 0 : i32
        %dma_start3A_152 = arith.constant 0 : i32
        %dma_start3A_153 = tpu.memref_slice %arg3[%dma_start3A_151, %dma_start3A_152] : memref<1000000x16xf32, #tpu.memory_space<hbm>> -> memref<1000000x16xf32, #tpu.memory_space<hbm>>
        tpu.enqueue_indirect_dma source(%dma_start3A_153 : memref<1000000x16xf32, #tpu.memory_space<hbm>>) target(%dma_start3A_147 : memref<100x16xf32, #tpu.memory_space<vmem>>) offsets(%dma_start3A_150 : memref<100xi32, #tpu.memory_space<vmem>>) semaphore(%arg10 : memref<!tpu.dma_semaphore, #tpu.memory_space<semaphore_mem>>)
        %dma_start3A_154 = arith.constant 1 : i32
        %dma_start3A_155 = arith.constant 0 : i32
        %dma_start3A_156 = arith.constant 100 : i32
        %dma_start3A_157 = arith.constant 0 : i32
        %dma_start3A_158 = tpu.memref_slice %arg7[%dma_start3A_155, %dma_start3A_156, %dma_start3A_157] : memref<2x200x16xf32, #tpu.memory_space<vmem>> -> memref<1x100x16xf32, #tpu.memory_space<vmem>>
        %dma_start3A_159 = tpu.memref_squeeze %dma_start3A_158 : memref<1x100x16xf32, #tpu.memory_space<vmem>> -> memref<100x16xf32, #tpu.memory_space<vmem>>
        %dma_start3A_160 = arith.constant 0 : i32
        %dma_start3A_161 = tpu.memref_slice %arg6[%add3A_141, %dma_start3A_154, %dma_start3A_160] : memref<128x2x100xi32, #tpu.memory_space<vmem>> -> memref<1x1x100xi32, #tpu.memory_space<vmem>>
        %dma_start3A_162 = tpu.memref_squeeze %dma_start3A_161 : memref<1x1x100xi32, #tpu.memory_space<vmem>> -> memref<100xi32, #tpu.memory_space<vmem>>
        %dma_start3A_163 = arith.constant 0 : i32
        %dma_start3A_164 = arith.constant 0 : i32
        %dma_start3A_165 = tpu.memref_slice %arg3[%dma_start3A_163, %dma_start3A_164] : memref<1000000x16xf32, #tpu.memory_space<hbm>> -> memref<1000000x16xf32, #tpu.memory_space<hbm>>
        tpu.enqueue_indirect_dma source(%dma_start3A_165 : memref<1000000x16xf32, #tpu.memory_space<hbm>>) target(%dma_start3A_159 : memref<100x16xf32, #tpu.memory_space<vmem>>) offsets(%dma_start3A_162 : memref<100xi32, #tpu.memory_space<vmem>>) semaphore(%arg10 : memref<!tpu.dma_semaphore, #tpu.memory_space<semaphore_mem>>)
      } else {
      }
      %add3A_101 = arith.constant 1 : i32
      %add3A_102 = arith.addi %mul3A_37, %add3A_101 : i32
      %dma_wait3A_103 = arith.constant 0 : i32
      %dma_wait3A_104 = arith.constant 1 : i32
      %dma_wait3A_105 = arith.constant 0 : i32
      %dma_wait3A_106 = arith.constant 0 : i32
      %dma_wait3A_107 = tpu.memref_slice %arg7[%dma_wait3A_104, %dma_wait3A_105, %dma_wait3A_106] : memref<2x200x16xf32, #tpu.memory_space<vmem>> -> memref<1x100x16xf32, #tpu.memory_space<vmem>>
      %dma_wait3A_108 = tpu.memref_squeeze %dma_wait3A_107 : memref<1x100x16xf32, #tpu.memory_space<vmem>> -> memref<100x16xf32, #tpu.memory_space<vmem>>
      %dma_wait3A_109 = arith.constant 0 : i32
      %dma_wait3A_110 = tpu.memref_slice %arg6[%add3A_102, %dma_wait3A_103, %dma_wait3A_109] : memref<128x2x100xi32, #tpu.memory_space<vmem>> -> memref<1x1x100xi32, #tpu.memory_space<vmem>>
      %dma_wait3A_111 = tpu.memref_squeeze %dma_wait3A_110 : memref<1x1x100xi32, #tpu.memory_space<vmem>> -> memref<100xi32, #tpu.memory_space<vmem>>
      %dma_wait3A_112 = arith.constant 0 : i32
      %dma_wait3A_113 = arith.constant 0 : i32
      %dma_wait3A_114 = tpu.memref_slice %arg3[%dma_wait3A_112, %dma_wait3A_113] : memref<1000000x16xf32, #tpu.memory_space<hbm>> -> memref<1000000x16xf32, #tpu.memory_space<hbm>>
      tpu.wait_indirect_dma semaphore(%arg11 : memref<!tpu.dma_semaphore, #tpu.memory_space<semaphore_mem>>) src(%dma_wait3A_114 : memref<1000000x16xf32, #tpu.memory_space<hbm>>) dst(%dma_wait3A_108 : memref<100x16xf32, #tpu.memory_space<vmem>>)
      %dma_wait3A_115 = arith.constant 1 : i32
      %dma_wait3A_116 = arith.constant 1 : i32
      %dma_wait3A_117 = arith.constant 100 : i32
      %dma_wait3A_118 = arith.constant 0 : i32
      %dma_wait3A_119 = tpu.memref_slice %arg7[%dma_wait3A_116, %dma_wait3A_117, %dma_wait3A_118] : memref<2x200x16xf32, #tpu.memory_space<vmem>> -> memref<1x100x16xf32, #tpu.memory_space<vmem>>
      %dma_wait3A_120 = tpu.memref_squeeze %dma_wait3A_119 : memref<1x100x16xf32, #tpu.memory_space<vmem>> -> memref<100x16xf32, #tpu.memory_space<vmem>>
      %dma_wait3A_121 = arith.constant 0 : i32
      %dma_wait3A_122 = tpu.memref_slice %arg6[%add3A_102, %dma_wait3A_115, %dma_wait3A_121] : memref<128x2x100xi32, #tpu.memory_space<vmem>> -> memref<1x1x100xi32, #tpu.memory_space<vmem>>
      %dma_wait3A_123 = tpu.memref_squeeze %dma_wait3A_122 : memref<1x1x100xi32, #tpu.memory_space<vmem>> -> memref<100xi32, #tpu.memory_space<vmem>>
      %dma_wait3A_124 = arith.constant 0 : i32
      %dma_wait3A_125 = arith.constant 0 : i32
      %dma_wait3A_126 = tpu.memref_slice %arg3[%dma_wait3A_124, %dma_wait3A_125] : memref<1000000x16xf32, #tpu.memory_space<hbm>> -> memref<1000000x16xf32, #tpu.memory_space<hbm>>
      tpu.wait_indirect_dma semaphore(%arg11 : memref<!tpu.dma_semaphore, #tpu.memory_space<semaphore_mem>>) src(%dma_wait3A_126 : memref<1000000x16xf32, #tpu.memory_space<hbm>>) dst(%dma_wait3A_120 : memref<100x16xf32, #tpu.memory_space<vmem>>)
      %add3A_127 = arith.constant 1 : i32
      %add3A_128 = arith.addi %mul3A_37, %add3A_127 : i32
      %scan3A_129 = arith.constant 0 : i32
      %scan3A_130 = arith.constant 200 : i32
      %scan3A_131 = arith.addi %scan3A_129, %scan3A_130 : i32
      %scan3A_132 = arith.constant 8 : i32
      %scan3A_133 = scf.for %scan3A_140 = %scan3A_129 to %scan3A_131 step %scan3A_132 iter_args(%scan3A_141 = %get3A_4) -> (vector<16xf32>)  : i32 {
        %get3A_142 = arith.constant 1 : i32
        %get3A_143 = arith.index_cast %get3A_142 : i32 to index
        %get3A_144 = arith.index_cast %scan3A_140 : i32 to index
        %get3A_145 = arith.constant 0 : index
        %get3A_146 = tpu.vector_load %arg7[%get3A_143, %get3A_144, %get3A_145] {strides = array<i32>} : memref<2x200x16xf32, #tpu.memory_space<vmem>>, vector<1x1x16xf32>,
        %get3A_147 = vector.shape_cast %get3A_146 : vector<1x1x16xf32> to vector<16xf32>
        %add3A_148 = arith.addf %scan3A_141, %get3A_147 : vector<16xf32>
        %scan3A_149 = arith.constant 1 : i32
        %scan3A_150 = arith.addi %scan3A_140, %scan3A_149 : i32
        %get3A_151 = arith.constant 1 : i32
        %get3A_152 = arith.index_cast %get3A_151 : i32 to index
        %get3A_153 = arith.index_cast %scan3A_150 : i32 to index
        %get3A_154 = arith.constant 0 : index
        %get3A_155 = tpu.vector_load %arg7[%get3A_152, %get3A_153, %get3A_154] {strides = array<i32>} : memref<2x200x16xf32, #tpu.memory_space<vmem>>, vector<1x1x16xf32>,
        %get3A_156 = vector.shape_cast %get3A_155 : vector<1x1x16xf32> to vector<16xf32>
        %add3A_157 = arith.addf %add3A_148, %get3A_156 : vector<16xf32>
        %scan3A_158 = arith.constant 2 : i32
        %scan3A_159 = arith.addi %scan3A_140, %scan3A_158 : i32
        %get3A_160 = arith.constant 1 : i32
        %get3A_161 = arith.index_cast %get3A_160 : i32 to index
        %get3A_162 = arith.index_cast %scan3A_159 : i32 to index
        %get3A_163 = arith.constant 0 : index
        %get3A_164 = tpu.vector_load %arg7[%get3A_161, %get3A_162, %get3A_163] {strides = array<i32>} : memref<2x200x16xf32, #tpu.memory_space<vmem>>, vector<1x1x16xf32>,
        %get3A_165 = vector.shape_cast %get3A_164 : vector<1x1x16xf32> to vector<16xf32>
        %add3A_166 = arith.addf %add3A_157, %get3A_165 : vector<16xf32>
        %scan3A_167 = arith.constant 3 : i32
        %scan3A_168 = arith.addi %scan3A_140, %scan3A_167 : i32
        %get3A_169 = arith.constant 1 : i32
        %get3A_170 = arith.index_cast %get3A_169 : i32 to index
        %get3A_171 = arith.index_cast %scan3A_168 : i32 to index
        %get3A_172 = arith.constant 0 : index
        %get3A_173 = tpu.vector_load %arg7[%get3A_170, %get3A_171, %get3A_172] {strides = array<i32>} : memref<2x200x16xf32, #tpu.memory_space<vmem>>, vector<1x1x16xf32>,
        %get3A_174 = vector.shape_cast %get3A_173 : vector<1x1x16xf32> to vector<16xf32>
        %add3A_175 = arith.addf %add3A_166, %get3A_174 : vector<16xf32>
        %scan3A_176 = arith.constant 4 : i32
        %scan3A_177 = arith.addi %scan3A_140, %scan3A_176 : i32
        %get3A_178 = arith.constant 1 : i32
        %get3A_179 = arith.index_cast %get3A_178 : i32 to index
        %get3A_180 = arith.index_cast %scan3A_177 : i32 to index
        %get3A_181 = arith.constant 0 : index
        %get3A_182 = tpu.vector_load %arg7[%get3A_179, %get3A_180, %get3A_181] {strides = array<i32>} : memref<2x200x16xf32, #tpu.memory_space<vmem>>, vector<1x1x16xf32>,
        %get3A_183 = vector.shape_cast %get3A_182 : vector<1x1x16xf32> to vector<16xf32>
        %add3A_184 = arith.addf %add3A_175, %get3A_183 : vector<16xf32>
        %scan3A_185 = arith.constant 5 : i32
        %scan3A_186 = arith.addi %scan3A_140, %scan3A_185 : i32
        %get3A_187 = arith.constant 1 : i32
        %get3A_188 = arith.index_cast %get3A_187 : i32 to index
        %get3A_189 = arith.index_cast %scan3A_186 : i32 to index
        %get3A_190 = arith.constant 0 : index
        %get3A_191 = tpu.vector_load %arg7[%get3A_188, %get3A_189, %get3A_190] {strides = array<i32>} : memref<2x200x16xf32, #tpu.memory_space<vmem>>, vector<1x1x16xf32>,
        %get3A_192 = vector.shape_cast %get3A_191 : vector<1x1x16xf32> to vector<16xf32>
        %add3A_193 = arith.addf %add3A_184, %get3A_192 : vector<16xf32>
        %scan3A_194 = arith.constant 6 : i32
        %scan3A_195 = arith.addi %scan3A_140, %scan3A_194 : i32
        %get3A_196 = arith.constant 1 : i32
        %get3A_197 = arith.index_cast %get3A_196 : i32 to index
        %get3A_198 = arith.index_cast %scan3A_195 : i32 to index
        %get3A_199 = arith.constant 0 : index
        %get3A_200 = tpu.vector_load %arg7[%get3A_197, %get3A_198, %get3A_199] {strides = array<i32>} : memref<2x200x16xf32, #tpu.memory_space<vmem>>, vector<1x1x16xf32>,
        %get3A_201 = vector.shape_cast %get3A_200 : vector<1x1x16xf32> to vector<16xf32>
        %add3A_202 = arith.addf %add3A_193, %get3A_201 : vector<16xf32>
        %scan3A_203 = arith.constant 7 : i32
        %scan3A_204 = arith.addi %scan3A_140, %scan3A_203 : i32
        %get3A_205 = arith.constant 1 : i32
        %get3A_206 = arith.index_cast %get3A_205 : i32 to index
        %get3A_207 = arith.index_cast %scan3A_204 : i32 to index
        %get3A_208 = arith.constant 0 : index
        %get3A_209 = tpu.vector_load %arg7[%get3A_206, %get3A_207, %get3A_208] {strides = array<i32>} : memref<2x200x16xf32, #tpu.memory_space<vmem>>, vector<1x1x16xf32>,
        %get3A_210 = vector.shape_cast %get3A_209 : vector<1x1x16xf32> to vector<16xf32>
        %add3A_211 = arith.addf %add3A_202, %get3A_210 : vector<16xf32>
        scf.yield %add3A_211 : vector<16xf32>
      }
      %scan3A_134 = arith.constant 200 : i32
      %swap3A_135 = arith.index_cast %add3A_128 : i32 to index
      %swap3A_136 = arith.constant 0 : index
      %swap3A_137 = tpu.vector_load %arg8[%swap3A_135, %swap3A_136] {strides = array<i32>} : memref<128x16xf32, #tpu.memory_space<vmem>>, vector<1x16xf32>,
      %swap3A_138 = vector.shape_cast %swap3A_137 : vector<1x16xf32> to vector<16xf32>
      %swap3A_139 = vector.shape_cast %scan3A_133 : vector<16xf32> to vector<1x16xf32>
      tpu.vector_store %arg8[%swap3A_135, %swap3A_136], %swap3A_139 {strides = array<i32>} : memref<128x16xf32, #tpu.memory_space<vmem>>, vector<1x16xf32>,
    }
    %scan3A_34 = arith.constant 64 : i32
    "tpu.region"() ({
      %run_scoped3A = tpu.sem_alloc : memref<!tpu.dma_semaphore, #tpu.memory_space<semaphore_mem>>
      %dma_start3A_35 = arith.constant 0 : i32
      %dma_start3A_36 = tpu.memref_slice %arg5[%mul3A_2, %dma_start3A_35] : memref<4096x16xf32, #tpu.memory_space<hbm>> -> memref<128x16xf32, #tpu.memory_space<hbm>>
      %dma_start3A_37 = arith.constant 0 : i32
      %dma_start3A_38 = tpu.memref_slice %arg5[%mul3A_2, %dma_start3A_37] : memref<4096x16xf32, #tpu.memory_space<hbm>> -> memref<128x16xf32, #tpu.memory_space<hbm>>
      tpu.enqueue_dma source(%arg8 : memref<128x16xf32, #tpu.memory_space<vmem>>) target(%dma_start3A_38 : memref<128x16xf32, #tpu.memory_space<hbm>>) target_semaphore(%run_scoped3A : memref<!tpu.dma_semaphore, #tpu.memory_space<semaphore_mem>>)
      %dma_wait3A = arith.constant 0 : i32
      %dma_wait3A_39 = tpu.memref_slice %arg5[%mul3A_2, %dma_wait3A] : memref<4096x16xf32, #tpu.memory_space<hbm>> -> memref<128x16xf32, #tpu.memory_space<hbm>>
      %dma_wait3A_40 = arith.constant 0 : i32
      %dma_wait3A_41 = tpu.memref_slice %arg5[%mul3A_2, %dma_wait3A_40] : memref<4096x16xf32, #tpu.memory_space<hbm>> -> memref<128x16xf32, #tpu.memory_space<hbm>>
      tpu.wait_dma2 semaphore(%run_scoped3A : memref<!tpu.dma_semaphore, #tpu.memory_space<semaphore_mem>>) src(%arg8 : memref<128x16xf32, #tpu.memory_space<vmem>>) dst(%dma_wait3A_41 : memref<128x16xf32, #tpu.memory_space<hbm>>)
      tpu.yield
    }) : () -> ()
    return
  }
}

module attributes {stable_mosaic.version = 14 : i64} {
  func.func @_proj_body(%arg0: i32, %arg1: memref<50x16384xf32, #tpu.memory_space<vmem>>, %arg2: memref<50x16xf32, #tpu.memory_space<vmem>>, %arg3: memref<16384x16xf32, #tpu.memory_space<vmem>>) attributes {dimension_semantics = [#tpu.dimension_semantics<arbitrary>], iteration_bounds = array<i64: 62>, scalar_prefetch = 0 : i64, scratch_operands = 0 : i64, tpu.core_type = #tpu.core_type<tc>, window_params = [{transform_indices = @transform_0, window_bounds = array<i64: 50, 16384>}, {pipeline_mode = #tpu.pipeline_mode<synchronous>, transform_indices = @transform_1, window_bounds = array<i64: 50, 16>}, {transform_indices = @transform_2, window_bounds = array<i64: 16384, 16>}]} {
    %get3A = arith.constant 0 : index
    %get3A_0 = arith.constant 0 : index
    %get3A_1 = vector.load %arg2[%get3A, %get3A_0] : memref<50x16xf32, #tpu.memory_space<vmem>>, vector<50x16xf32>
    %mul3A = arith.constant 5.000000e-03 : f32
    %mul3A_2 = vector.broadcast %mul3A : f32 to vector<50x16xf32>
    %mul3A_3 = arith.mulf %get3A_1, %mul3A_2 : vector<50x16xf32>
    %get3A_4 = arith.constant 0 : index
    %get3A_5 = arith.constant 0 : index
    %get3A_6 = vector.load %arg1[%get3A_4, %get3A_5] : memref<50x16384xf32, #tpu.memory_space<vmem>>, vector<50x16384xf32>
    %dot_general3A = arith.constant dense<0.000000e+00> : vector<16384x16xf32>
    %dot_general3A_7 = tpu.matmul %get3A_6, %mul3A_3, %dot_general3A {dimension_numbers = #tpu.dot_dimension_numbers<[0], [0], [1], [1], [0, 1, 1, 1], [], []>, transpose_lhs_hint = false} : vector<50x16384xf32>, vector<50x16xf32>, vector<16384x16xf32> -> vector<16384x16xf32>
    %swap3A = arith.constant 0 : index
    %swap3A_8 = arith.constant 0 : index
    %swap3A_9 = vector.load %arg3[%swap3A, %swap3A_8] : memref<16384x16xf32, #tpu.memory_space<vmem>>, vector<16384x16xf32>
    tpu.vector_store %arg3[%swap3A, %swap3A_8], %dot_general3A_7 {strides = array<i32>} : memref<16384x16xf32, #tpu.memory_space<vmem>>, vector<16384x16xf32>,
    return
  }
  func.func @transform_0(%arg0: i32) -> (i32, i32) {
    %c0_i32 = arith.constant 0 : i32
    %c0_i32_0 = arith.constant 0 : i32
    return %c0_i32, %arg0 : i32, i32
  }
  func.func @transform_1(%arg0: i32) -> (i32, i32) {
    %c0_i32 = arith.constant 0 : i32
    %c0_i32_0 = arith.constant 0 : i32
    %c0_i32_1 = arith.constant 0 : i32
    return %c0_i32, %c0_i32_0 : i32, i32
  }
  func.func @transform_2(%arg0: i32) -> (i32, i32) {
    %c0_i32 = arith.constant 0 : i32
    %c0_i32_0 = arith.constant 0 : i32
    return %arg0, %c0_i32 : i32, i32
  }
}

</mosaic_0001>

<sc_bundles>
// kernel: kernel.4.cloned.1.call-start
scs
__scs_entry_jumppad:
0x0: {  	(pc) =	sbr.rel $0x88, $3  }
0x1: {  	(tag) =	ssettag $0x0;
	lr =	simm.s32 $0x1  }
0x2: {  	[smem:$0x3F9D] =	sst lr;
	_ =	strace $0xD0000000  }
0x3: {  	_ = 	snop  }
0x4: {  	_ = 	snop  }
0x5: {  	_ = 	snop  }
0x6: {  	_ = 	snop  }
0x7: {  	_ = 	snop  }
__scs_overlays_trampoline_lowered:
0x8: {  	[smem:$0x3FAC] =	sst s0  }
0x9: {  	[smem:$0x3FAD] =	sst s1  }
0xa: {  	[smem:$0x3FAE] =	sst s2  }
0xb: {  	[smem:$0x3FAF] =	sst s3  }
0xc: {  	[smem:$0x3FB0] =	sst s4  }
0xd: {  	[smem:$0x3FB1] =	sst s5  }
0xe: {  	[smem:$0x3FB2] =	sst s6  }
0xf: {  	[smem:$0x3FB3] =	sst s7  }
0x10: {  	[smem:$0x3FB4] =	sst s8  }
0x11: {  	[smem:$0x3FB5] =	sst s9;
	s0 =	simm.s32 @!p0 $0x0  }
0x12: {  	s1 =	sld [smem:$0x3F9B];
	s0 =	simm.s32 @p0 $0x1  }
0x13: {  	[smem:$0x3FB6] =	sst s0;
	s0 =	simm.s32 @!p1 $0x0  }
0x14: {  	s2 =	sld [smem:$0x3F9A];
	s0 =	simm.s32 @p1 $0x1  }
0x15: {  	[smem:$0x3FB7] =	sst s0;
	s0 =	simm.s32 @!p2 $0x0  }
0x16: {  	s3 =	sld [smem:$0x3FDB];
	s0 =	simm.s32 @p2 $0x1  }
0x17: {  	s4 =	simm.s32 $0x1BF5;
	[smem:$0x3FB9] =	sst s0  }
0x18: {  	s0 =	sld [smem:$0x3F9C];
	_ =	swait.ge [sflag:s4], $0x0  }
0x19: {  	s7 =	sld [smem:$0x3F9D]  }
0x1a: {  	s8 =	sadd.s32 $0xFFFFE003, lr  }
0x1b: {  	s9 =	sadd.s32 $0xFFFFFEF7, lr;
	s5 =	simm.s32 $0xFFFFFFFF;
	p2 =	slt.u32 s8, $0xFFFFF086  }
0x1c: {  	p1 =	slt.u32 s9, $0xF7A;
	s5 =	simm.s32 @!p2 $0x0  }
0x1d: {  	s5 =	simm.s32 @p1 $0x1;
	p0 =	seq.s32 s7, s2  }
0x1e: {  	s7 =	smul.u32 @!p0 $0xF7A, s2;
	p2 =	seq.s32 @!p0 s5, $0x0  }
0x1f: {  	s9 =	smul.u32 $0xF7A, s1;
	s8 =	simm.s32 @!p0 $0x1BF5;
	p2 =	por !p2, p0  }
0x20: {  	[sflag:s8] =	ssyncset.s32 @!p0 $0xFFFFF086;
	s6 =	sadd.s32 @!p0 s3, s7;
	s7 =	simm.s32 @!p0 $0x108  }
0x21: {  	s3 =	sadd.s32 s3, s9;
	s6 =	sadd.s32 @!p0 $0x88, s6;
	s7 =	simm.s32 @p2 $0x1082  }
0x22: {  	[simem:s7], [sflag:s8] =	dma.local @!p0 [hbm:s6], $0xF7A  }
0x23: {  	s9 =	sor.u32 $0xD0000000, s2;
	s6 =	simm.s32 $0x108;
	_ =	swait.ge @!p0 [sflag:s8], $0x0  }
0x24: {  	s3 =	sadd.s32 $0x88, s3;
	s6 =	simm.s32 @!p1 $0x1082;
	[sflag:s4] =	ssyncset.s32 $0xFFFFF086  }
0x25: {  	[simem:s6], [sflag:s4] =	dma.local [hbm:s3], $0xF7A  }
0x26: {  	[smem:$0x3F9D] =	sst s1;
	(tag) =	ssettag s2;
	_ =	strace s9  }
0x27: {  	s1 =	sld [smem:$0x3FAD]  }
0x28: {  	s2 =	sld [smem:$0x3FAE]  }
0x29: {  	s4 =	sld [smem:$0x3FB0]  }
0x2a: {  	p0 =	seq.s32 s5, $0x0;
	s5 =	sld [smem:$0x3FB1]  }
0x2b: {  	s6 =	sld [smem:$0x3FB2]  }
0x2c: {  	s7 =	sld [smem:$0x3FB3]  }
0x2d: {  	s3 =	simm.s32 $0x108;
	s8 =	sld [smem:$0x3FB4]  }
0x2e: {  	s3 =	simm.s32 @!p0 $0x1082;
	s9 =	sld [smem:$0x3FB5]  }
0x2f: {  	lr =	sadd.s32 s0, s3;
	s0 =	sld [smem:$0x3FAC]  }
0x30: {  	s3 =	sld [smem:$0x3FAF]  }
0x31: {  	[smem:$0x3FB8] =	sst s10  }
0x32: {  	s10 =	sld [smem:$0x3FB6];
	_ =	sdelay $0x3  }
0x33: {  	p0 =	seq.s32 s10, $0x1;
	s10 =	sld [smem:$0x3FB8];
	_ =	sdelay $0x3  }
0x34: {  	[smem:$0x3FB8] =	sst s10  }
0x35: {  	s10 =	sld [smem:$0x3FB7];
	_ =	sdelay $0x3  }
0x36: {  	p1 =	seq.s32 s10, $0x1;
	s10 =	sld [smem:$0x3FB8];
	_ =	sdelay $0x3  }
0x37: {  	[smem:$0x3FB8] =	sst s10  }
0x38: {  	s10 =	sld [smem:$0x3FB9]  }
0x39: {  	_ = 	snop;
	(pc) =	sbr.ind lr, $3  }
0x3a: {  	_ = 	snop  }
0x3b: {  	_ = 	snop  }
0x3c: {  	p2 =	seq.s32 s10, $0x1;
	s10 =	sld [smem:$0x3FB8]  }
0x3d: {  	_ =	shalt  }
0x3e: {  	_ =	shalt  }
0x3f: {  	_ =	shalt  }
0x40: {  	_ =	shalt  }
0x41: {  	_ =	shalt  }
0x42: {  	_ =	shalt  }
0x43: {  	_ =	shalt  }
0x44: {  	_ =	shalt  }
0x45: {  	_ =	shalt  }
0x46: {  	_ =	shalt  }
0x47: {  	_ =	shalt  }
0x48: {  	_ =	shalt  }
0x49: {  	_ =	shalt  }
0x4a: {  	_ =	shalt  }
0x4b: {  	_ =	shalt  }
0x4c: {  	_ =	shalt  }
0x4d: {  	_ =	shalt  }
0x4e: {  	_ =	shalt  }
0x4f: {  	_ =	shalt  }
0x50: {  	_ =	shalt  }
0x51: {  	_ =	shalt  }
0x52: {  	_ =	shalt  }
0x53: {  	_ =	shalt  }
0x54: {  	_ =	shalt  }
0x55: {  	_ =	shalt  }
0x56: {  	_ =	shalt  }
0x57: {  	_ =	shalt  }
0x58: {  	_ =	shalt  }
0x59: {  	_ =	shalt  }
0x5a: {  	_ =	shalt  }
0x5b: {  	_ =	shalt  }
0x5c: {  	_ =	shalt  }
0x5d: {  	_ =	shalt  }
0x5e: {  	_ =	shalt  }
0x5f: {  	_ =	shalt  }
0x60: {  	_ =	shalt  }
0x61: {  	_ =	shalt  }
0x62: {  	_ =	shalt  }
0x63: {  	_ =	shalt  }
0x64: {  	_ =	shalt  }
0x65: {  	_ =	shalt  }
0x66: {  	_ =	shalt  }
0x67: {  	_ =	shalt  }
0x68: {  	_ =	shalt  }
0x69: {  	_ =	shalt  }
0x6a: {  	_ =	shalt  }
0x6b: {  	_ =	shalt  }
0x6c: {  	_ =	shalt  }
0x6d: {  	_ =	shalt  }
0x6e: {  	_ =	shalt  }
0x6f: {  	_ =	shalt  }
0x70: {  	_ =	shalt  }
0x71: {  	_ =	shalt  }
0x72: {  	_ =	shalt  }
0x73: {  	_ =	shalt  }
0x74: {  	_ =	shalt  }
0x75: {  	_ =	shalt  }
0x76: {  	_ =	shalt  }
0x77: {  	_ =	shalt  }
0x78: {  	_ =	shalt  }
0x79: {  	_ =	shalt  }
0x7a: {  	_ =	shalt  }
0x7b: {  	_ =	shalt  }
0x7c: {  	_ =	shalt  }
0x7d: {  	_ =	shalt  }
0x7e: {  	_ =	shalt  }
0x7f: {  	_ =	shalt  }
0x80: {  	_ =	shalt  }
0x81: {  	_ =	shalt  }
0x82: {  	_ =	shalt  }
0x83: {  	_ =	shalt  }
0x84: {  	_ =	shalt  }
0x85: {  	_ =	shalt  }
0x86: {  	_ =	shalt  }
0x87: {  	_ =	shalt  }
.Lfunc_end0:
.L_simem_size_0:
called_computation_lowered:
.L_overlay_start_0:
0x88: {  	s2 =	sld [smem:$0x3FD9]  }
0x89: {  	s3 =	sld [smem:$0x3FFE];
	_ =	sdelay $0x1  }
0x8a: {  	s1 =	srdreg.scid  }
0x8b: {  	s0 =	sand.u32 $0x1, s1  }
0x8c: {  	s17 =	sshll.u32 s0, $0xA;
	s2 =	sadd.s32 s3, s2  }
0x8d: {  	s2 =	sadd.s32 s2, s17  }
0x8e: {  	[smem:$0x3FC4] =	sst s2  }
0x8f: {  	_ = 	snop  }
0x90: {  	s2 =	sld [smem:$0x3FD0];
	(tm) =	ssettm $0x1  }
0x91: {  	s18 =	sld [smem:$0x3FFB];
	_ =	sdelay $0x3  }
0x92: {  	_ =	strace s18  }
0x93: {  	s3 =	sld [smem:$0x3FFC];
	_ =	sdelay $0x3  }
0x94: {  	_ =	strace s3  }
0x95: {  	s3 =	sld [smem:$0x3FFD];
	_ =	sdelay $0x3  }
0x96: {  	_ =	strace s3  }
0x97: {  	_ =	strace $0x8FFFFFFF  }
0x98: {  	s19 =	sld [smem:$0x3FDB];
	_ =	sdelay $0x1  }
0x99: {  	s4 =	simm.s32 $_scs_section_size  }
0x9a: {  	s5 =	simm.s32 $_size__tile_overlayer_lowered;
	s6 =	simm.s32 $_tile_overlayer_lowered  }
0x9b: {  	s22 =	simm.s32 $0x1BFF;
	s21 =	sshll.u32 s6, $0x1;
	s3 =	sadd.s32 s4, s19  }
0x9c: {  	s7 =	simm.s32 $0x0;
	s20 =	sshll.u32 s5, $0x1;
	s5 =	sadd.s32 s21, s3  }
0x9d: {  	[timem:s7], [sflag:s22] =	dma.local [hbm:s5], s20  }
0x9e: {  	_ =	swait.ge [sflag:s22], s20  }
0x9f: {  	s4 =	ssub.s32 $0x0, s20;
	[sflag:s22] =	ssyncset.done $0x0  }
0xa0: {  	[sflag:s22] =	ssyncadd.s32 s4;
	_ =	sdelay $0x1  }
0xa1: {  	s23 =	simm.s32 $0x1B8B  }
0xa2: {  	_ =	swait.ge [sflag:s23], $0x1  }
0xa3: {  	[sflag:s23] =	ssyncset.done $0x0  }
0xa4: {  	s25 =	simm.s32 $0x1B8E;
	s24 =	sld [smem:$0x3FFE];
	[sflag:s23] =	ssyncadd.s32 $0xFFFFFFFF  }
0xa5: {  	s26 =	simm.s32 $execute0_lowered;
	[smem:$0x3FD2] =	sst s25  }
0xa6: {  	s5 =	sshll.u32 s26, $0x1;
	_ =	strace $0x80000046;
	[dreg:$0x1] =	wrdreg $0xFFFFFFFF  }
0xa7: {  	s28 =	simm.s32 $_size_execute0_lowered;
	s3 =	sadd.s32 s3, s5;
	[dreg:$0x0] =	wrdreg $0x0  }
0xa8: {  	s5 =	sshll.u32 s28, $0x1;
	[dreg:$0x2] =	wrdreg s3  }
0xa9: {  	[dreg:$0x3] =	wrdreg s5  }
0xaa: {  	[dreg:$0x4] =	wrdreg $0xC0  }
0xab: {  	_ =	task [dreg:s7], $0x5FFFF  }
0xac: {  	[dreg:$0x1] =	wrdreg $0xFFFFFFFF  }
0xad: {  	[dreg:$0x0] =	wrdreg $0x60  }
0xae: {  	[dreg:$0x2] =	wrdreg s24  }
0xaf: {  	[dreg:$0x3] =	wrdreg s2  }
0xb0: {  	[dreg:$0x4] =	wrdreg $0x9  }
0xb1: {  	_ =	task.clear_ibuf [dreg:s7], $0x5FFFF;
	_ =	strace $0x90000046  }
0xb2: {  	s29 =	simm.s32 $0x9;
	_ =	strace $0x80000048  }
0xb3: {  	_ =	swait.ge [sflag:s29], $0x1  }
0xb4: {  	[sflag:s29] =	ssyncadd.s32 $0xFFFFFFFF  }
0xb5: {  	_ =	strace $0x90000048  }
0xb6: {  	_ =	sfence  }
0xb7: {  	s30 =	sld [smem:$0x0];
	_ =	sdelay $0x2  }
0xb8: {  	s31 =	sshll.u32 s1, $0xD;
	s1 =	sshrl.u32 s1, $0x2  }
0xb9: {  	s3 =	sand.u32 $0x4000, s31;
	s1 =	sadd.s32 s1, s30  }
0xba: {  	s0 =	sor.u32 s3, s0;
	s1 =	sshll.u32 s1, $0x11  }
0xbb: {  	s0 =	sor.u32 s1, s0  }
0xbc: {  	s0 =	sadd.s32 $0x8F2B, s0  }
0xbd: {  	[sflag:s0] =	ssyncadd.remote.s32 $0x1  }
0xbe: {  	_ =	sfence.sel $0xFFFF  }
0xbf: {  	[dreg:$0x0] =	wrdreg $0xFFFFFFFF;
	(pc) =	sbr.abs _section_cstart, $3  }
0xc0: {  	[dreg:$0x1] =	wrdreg $0xFFFFFFFF  }
0xc1: {  	_ =	task.clear_ibuf [dreg:s7], $0x2FFFF;
	_ =	strace $0x9FFFFFFF  }
0xc2: {  	(tm) =	ssettm $0x7FFFFFFF  }
0xc3: {  	_ =	shalt  }
tec
execute0_lowered:
.L_overlay_start_1:
0x0: {  	(tag) =	ssettag $0x1  }
0x1: {  	s1 =	srdreg.scid;
	s5 =	rddreg [dreg:$0x0]  }
0x2: {  	s0 =	stileid.u32;
	s2 =	rddreg [dreg:$0x1];
	s3 =	simm.s32 $0x0  }
0x3: {  	s10 =	simm.s32 $0x64;
	s11 =	simm.s32 $0x6800;
	s12 =	simm.s32 $0x68  }
0x4: {  	s13 =	simm.s32 $0x6E40;
	s14 =	simm.s32 $0x7480;
	s15 =	simm.s32 $0x7AC0  }
0x5: {  	s16 =	simm.s32 $0x1;
	s17 =	simm.s32 $0x2;
	s18 =	simm.s32 $0x8100  }
0x6: {  	s19 =	simm.s32 $0x0;
	s4 =	sand.u32 $0x1, s1;
	s1 =	rddreg [dreg:$0x2]  }
0x7: {  	s6 =	sshll.u32 s0, $0x8;
	[smem:$0x7FF] =	sst s3;
	s7 =	sshll.u32 s4, $0x7  }
0x8: {  	_ =	strace $0x80000047;
	s8 =	ssub.s32 $0x2, s4;
	s6 =	sor.u32 s7, s6  }
0x9: {  	s9 =	sshrl.u32 s8, $0x1;
	s7 =	smul.u32 $0x1A, s6;
	s6 =	sshll.u32 s6, $0x1  }
0xa: {  	s4 =	sadd.s32 $0xF42800, s5;
	s8 =	ssub.s32 s8, s9;
	s6 =	sadd.s32 s6, s5  }
0xb: {  	s9 =	simm.s32 $0x8900;
	s7 =	sadd.s32 s7, s5;
	s6 =	sadd.s32 $0x1A400, s6  }
0xc: {  	s5 =	sadd.s32 $0x400, s7;
	s7 =	smax.u32 s8, $0x1;
	s8 =	simm.s32 $0x3  }
.LBB2_1:
0xd: {  	[tilespmem:s3], [sflag:$0x3] =	stream.linear.gather [hbm4b:s5+s3], $0x6800, $0x38;
	[tilespmem:$0x8910] =	vst v63  }
0xe: {  	_ =	swait.ge [sflag:s8], $0x6800  }
0xf: {  	[sflag:s8] =	ssyncset.done $0x0  }
0x10: {  	[sflag:s8] =	ssyncadd.s32 $0xFFFF9800  }
0x11: {  	[tilespmem:s9], [sflag:$0x3] =	stream.linear.gather [hbm4b:s2+s3], $0x10, $0x38;
	[tilespmem:$0x8910] =	vst v63  }
0x12: {  	_ =	swait.ge [sflag:s8], $0x10  }
0x13: {  	[sflag:s8] =	ssyncset.done $0x0  }
0x14: {  	[sflag:s8] =	ssyncadd.s32 $0xFFFFFFF0  }
0x15: {  	v0 =	vld [tilespmem:$0x8900];
	[tilespmem:s11], [sflag:$0x1] =	stream.indirect.gather [hbm4b:s4+s10], $0x10, s3, s10, $0xb8  }
0x16: {  	s20 =	simm.s32 $0x0  }
0x17: {  	[tilespmem:s13], [sflag:$0x1] =	stream.indirect.gather [hbm4b:s4+s10], $0x10, s12, s10, $0xb8;
	[tilespmem:$0x8910] =	vst v63  }
.LBB2_2:
0x18: {  	s21 =	sshllo.u32 s20, $0x1  }
0x19: {  	s22 =	smul.u32 $0x340, s21;
	_ =	sdelay $0x1  }
0x1a: {  	s22 =	sshra.s32 s22, $0x2  }
0x1b: {  	[tilespmem:s14], [sflag:$0x2] =	stream.indirect.gather [hbm4b:s4+s10], $0x10, s22, s10, $0xb8;
	[tilespmem:$0x8910] =	vst v63  }
0x1c: {  	s22 =	sadd.s32 $0x68, s22  }
0x1d: {  	[tilespmem:s15], [sflag:$0x2] =	stream.indirect.gather [hbm4b:s4+s10], $0x10, s22, s10, $0xb8;
	[tilespmem:$0x8910] =	vst v63  }
0x1e: {  	_ =	swait.ge [sflag:s16], $0x640  }
0x1f: {  	[sflag:s16] =	ssyncset.done $0x0  }
0x20: {  	[sflag:s16] =	ssyncadd.s32 $0xFFFFF9C0  }
0x21: {  	_ =	swait.ge [sflag:s16], $0x640  }
0x22: {  	[sflag:s16] =	ssyncset.done $0x0  }
0x23: {  	s23 =	simm.s32 $0x6840;
	[sflag:s16] =	ssyncadd.s32 $0xFFFFF9C0  }
0x24: {  	v1 =	vld [tilespmem:s23+$0xFFFFFFC0];
	_ =	sdelay $0x1  }
0x25: {  	v2 =	vld [tilespmem:s23+$0xFFFFFFD0];
	_ =	sdelay $0x1  }
0x26: {  	v3 =	vld [tilespmem:s23+$0xFFFFFFE0]  }
0x27: {  	v1 =	vadd.f32 v1, v0  }
0x28: {  	v4 =	vld [tilespmem:s23+$0xFFFFFFF0]  }
0x29: {  	v1 =	vadd.f32 v2, v1  }
0x2a: {  	v2 =	vld [tilespmem:s23+$0x0]  }
0x2b: {  	v1 =	vadd.f32 v3, v1;
	_ =	sdelay $0x1  }
0x2c: {  	v3 =	vld [tilespmem:s23+$0x10];
	v1 =	vadd.f32 v4, v1;
	_ =	sdelay $0x1  }
0x2d: {  	v4 =	vadd.f32 v2, v1;
	v2 =	vld [tilespmem:s23+$0x20];
	_ =	sdelay $0x1  }
0x2e: {  	v1 =	vld [tilespmem:s23+$0x30]  }
0x2f: {  	s22 =	simm.s32 $0x0;
	s23 =	simm.s32 $0x68C0;
	v3 =	vadd.f32 v3, v4  }
.LBB2_3:
0x30: {  	v4 =	vld [tilespmem:s23+$0xFFFFFFC0];
	s22 =	sadd.s32 $0x8, s22  }
0x31: {  	p0 =	slt.u32 s22, $0xC0;
	v2 =	vadd.f32 v2, v3  }
0x32: {  	v3 =	vld [tilespmem:s23+$0xFFFFFFD0]  }
0x33: {  	v1 =	vadd.f32 v1, v2  }
0x34: {  	v2 =	vld [tilespmem:s23+$0xFFFFFFE0]  }
0x35: {  	v1 =	vadd.f32 v4, v1  }
0x36: {  	v4 =	vld [tilespmem:s23+$0xFFFFFFF0]  }
0x37: {  	v1 =	vadd.f32 v3, v1  }
0x38: {  	v3 =	vld [tilespmem:s23+$0x0]  }
0x39: {  	v1 =	vadd.f32 v2, v1  }
0x3a: {  	v5 =	vld [tilespmem:s23+$0x10]  }
.Ltmp0:
0x3b: {  	v1 =	vadd.f32 v4, v1;
	(pc) =	sbr.rel @p0 .LBB2_3-.Ltmp0, $4  }
0x3c: {  	v2 =	vld [tilespmem:s23+$0x20]  }
0x3d: {  	v3 =	vadd.f32 v3, v1  }
0x3e: {  	v1 =	vld [tilespmem:s23+$0x30]  }
0x3f: {  	s23 =	sadd.s32 $0x80, s23;
	v3 =	vadd.f32 v5, v3  }
0x40: {  	_ = 	snop  }
0x41: {  	p0 =	seq.s32 s20, $0x3F;
	v2 =	vadd.f32 v2, v3  }
0x42: {  	s22 =	smul.u32 @!p0 $0x680, s20  }
0x43: {  	s23 =	sshll.u32 s20, $0x5;
	v1 =	vadd.f32 v1, v2  }
0x44: {  	s23 =	sand.u32 $0x3FFFFFE0, s23;
	s22 =	sshra.s32 @!p0 s22, $0x2  }
0x45: {  	s24 =	simm.s32 @!p0 $0x64;
	s25 =	simm.s32 @!p0 $0x6800;
	[tilespmem:s23+$0x8100] =	vst v1;
	s23 =	sadd.s32 @!p0 $0x1A0, s22  }
0x46: {  	[tilespmem:s25], [sflag:$0x1] =	stream.indirect.gather @!p0 [hbm4b:s4+s24], $0x10, s23, s24, $0xb8;
	[tilespmem:$0x8910] =	vst v63  }
0x47: {  	s22 =	sadd.s32 @!p0 $0x208, s22;
	s23 =	simm.s32 @!p0 $0x6E40  }
0x48: {  	[tilespmem:s23], [sflag:$0x1] =	stream.indirect.gather @!p0 [hbm4b:s4+s24], $0x10, s22, s24, $0xb8;
	[tilespmem:$0x8910] =	vst v63  }
0x49: {  	_ =	swait.ge [sflag:s17], $0x640  }
0x4a: {  	[sflag:s17] =	ssyncset.done $0x0  }
0x4b: {  	[sflag:s17] =	ssyncadd.s32 $0xFFFFF9C0  }
0x4c: {  	_ =	swait.ge [sflag:s17], $0x640  }
0x4d: {  	[sflag:s17] =	ssyncset.done $0x0  }
0x4e: {  	s31 =	simm.s32 $0x74F0;
	[sflag:s17] =	ssyncadd.s32 $0xFFFFF9C0  }
0x4f: {  	v1 =	vld [tilespmem:s31+$0xFFFFFF90];
	_ =	sdelay $0x1  }
0x50: {  	v2 =	vld [tilespmem:s31+$0xFFFFFFA0];
	_ =	sdelay $0x1  }
0x51: {  	v3 =	vld [tilespmem:s31+$0xFFFFFFB0]  }
0x52: {  	v1 =	vadd.f32 v1, v0  }
0x53: {  	v4 =	vld [tilespmem:s31+$0xFFFFFFC0]  }
0x54: {  	v1 =	vadd.f32 v2, v1  }
0x55: {  	v2 =	vld [tilespmem:s31+$0xFFFFFFD0]  }
0x56: {  	v1 =	vadd.f32 v3, v1;
	_ =	sdelay $0x1  }
0x57: {  	v3 =	vld [tilespmem:s31+$0xFFFFFFE0];
	v1 =	vadd.f32 v4, v1;
	_ =	sdelay $0x1  }
0x58: {  	v4 =	vadd.f32 v2, v1;
	v1 =	vld [tilespmem:s31+$0xFFFFFFF0];
	_ =	sdelay $0x1  }
0x59: {  	v2 =	vld [tilespmem:s31+$0x0]  }
0x5a: {  	s22 =	simm.s32 $0x0;
	s23 =	simm.s32 $0x7570;
	v3 =	vadd.f32 v3, v4  }
.LBB2_5:
0x5b: {  	v4 =	vld [tilespmem:s23+$0xFFFFFF90];
	s22 =	sadd.s32 $0x8, s22  }
0x5c: {  	p0 =	slt.u32 s22, $0xC0;
	v1 =	vadd.f32 v1, v3  }
0x5d: {  	v3 =	vld [tilespmem:s23+$0xFFFFFFA0]  }
0x5e: {  	v1 =	vadd.f32 v2, v1  }
0x5f: {  	v2 =	vld [tilespmem:s23+$0xFFFFFFB0]  }
0x60: {  	v1 =	vadd.f32 v4, v1  }
0x61: {  	v4 =	vld [tilespmem:s23+$0xFFFFFFC0]  }
0x62: {  	v1 =	vadd.f32 v3, v1  }
0x63: {  	v3 =	vld [tilespmem:s23+$0xFFFFFFD0]  }
0x64: {  	v1 =	vadd.f32 v2, v1  }
0x65: {  	v5 =	vld [tilespmem:s23+$0xFFFFFFE0]  }
.Ltmp1:
0x66: {  	v2 =	vadd.f32 v4, v1;
	(pc) =	sbr.rel @p0 .LBB2_5-.Ltmp1, $4  }
0x67: {  	v1 =	vld [tilespmem:s23+$0xFFFFFFF0]  }
0x68: {  	v3 =	vadd.f32 v3, v2  }
0x69: {  	v2 =	vld [tilespmem:s23+$0x0]  }
0x6a: {  	s23 =	sadd.s32 $0x80, s23;
	v3 =	vadd.f32 v5, v3  }
0x6b: {  	s20 =	sadd.s32 $0x1, s20  }
0x6c: {  	p0 =	sne.s32 s20, $0x40  }
.Ltmp2:
0x6d: {  	v1 =	vadd.f32 v1, v3;
	(pc) =	sbr.rel @p0 .LBB2_2-.Ltmp2, $4  }
0x6e: {  	_ = 	snop  }
0x6f: {  	s21 =	sshll.u32 s21, $0x4;
	v1 =	vadd.f32 v2, v1  }
0x70: {  	s21 =	sand.u32 $0x3FFFFFF0, s21  }
0x71: {  	[tilespmem:s21+$0x8100] =	vst v1  }
0x72: {  	s19 =	sadd.s32 $0x1, s19  }
0x73: {  	p0 =	sne.s32 s19, s7  }
.Ltmp3:
0x74: {  	_ = 	snop;
	(pc) =	sbr.rel @p0 .LBB2_1-.Ltmp3, $4  }
0x75: {  	[hbm4b:s6+s3] =	stream.linear.scatter [tilespmem:s18], [sflag:$0x3], $0x800, $0x38;
	[tilespmem:$0x8910] =	vst v63  }
0x76: {  	_ =	swait.ge [sflag:s8], $0x800  }
0x77: {  	[sflag:s8] =	ssyncset.done $0x0  }
0x78: {  	[sflag:s8] =	ssyncadd.s32 $0xFFFFF800  }
0x79: {  	_ =	sfence.sel $0x180000  }
0x7a: {  	[bflag:$0x0] =	sbarrier.arrive $0xFFFF  }
0x7b: {  	p0 =	sne.s32 s0, $0x0;
	_ =	strace $0x90000047  }
0x7c: {  	s0 =	sadd.s32 @!p0 $0x100000, s1;
	[bflag:$0x2] =	sbarrier.arrive $0xFFFF  }
0x7d: {  	[sflag:s0] =	ssyncadd.tile.s32 @!p0 $0x1;
	_ =	shalt  }
.Lfunc_end2:
_tile_overlayer_lowered:
.L_overlay_start_2:
0x7e: {  	(tag) =	ssettag $0x2  }
0x7f: {  	s0 =	rddreg [dreg:$0x0];
	s2 =	stileid.u32  }
0x80: {  	s1 =	rddreg [dreg:$0x1];
	p0 =	sne.s32 s2, $0x0  }
0x81: {  	s3 =	rddreg [dreg:$0x2];
	[bflag:$0x3] =	sbarrier.arrive $0xFFFF;
	s2 =	simm.s32 @!p0 $0x1C03  }
0x82: {  	[timem:s3], [sflag:s2] =	dma.local @!p0 [hbm:s0], s1  }
0x83: {  	s0 =	simm.s32 @!p0 $0x3  }
0x84: {  	_ =	swait.ge @!p0 [sflag:s0], s1  }
0x85: {  	s1 =	ssub.s32 @!p0 $0x0, s1;
	[sflag:s0] =	ssyncset.done @!p0 $0x0  }
0x86: {  	[sflag:s0] =	ssyncadd.s32 @!p0 s1  }
0x87: {  	[bflag:$0x3] =	sbarrier.arrive $0xFFFF  }
0x88: {  	_ =	shalt  }

</sc_bundles>
